<compile_context>
chip_gen: v7x
topology: tpu7x:2x2x1
jax: 0.10.2.dev20260603
libtpu: 0.0.44.dev20260713+nightly
codegen_flags: <defaults>
</compile_context>

<pallas_src>
import functools
import math

import jax
import jax.numpy as jnp
from jax import lax
from jax.experimental import pallas as pl
from jax.experimental.pallas import tpu as pltpu
from jax.experimental.pallas import tpu_sc as plsc

BN = 16384
B = 256
V = 100000
D_ATOM = 64
D_T = 64
HALF_T = D_T // 2
D_FF = 128
H = 128
D_OUT = D_ATOM + D_T + D_FF

ROWS = 2048
NBLK = BN // ROWS


def _make_sc_gather():
    nc, ns = 2, 16
    nw = nc * ns
    b_per_w = BN // nw
    mesh = plsc.VectorSubcoreMesh(core_axis_name="c", subcore_axis_name="s")

    @functools.partial(
        pl.kernel,
        mesh=mesh,
        out_type=jax.ShapeDtypeStruct((BN, 128), jnp.float32),
        scratch_types=[
            pltpu.VMEM((b_per_w,), jnp.int32),
            pltpu.VMEM((b_per_w, 128), jnp.float32),
            pltpu.SemaphoreType.DMA,
        ],
        compiler_params=pltpu.CompilerParams(use_tc_tiling_on_sc=False),
    )
    def gather_k(table2_hbm, idx_hbm, out_hbm, idx_v, rows_v, sem):
        wid = lax.axis_index("s") * nc + lax.axis_index("c")
        base = wid * b_per_w
        pltpu.sync_copy(idx_hbm.at[pl.ds(base, b_per_w)], idx_v)

        def mod_body(k, _):
            a = idx_v[pl.ds(k * 16, 16)]
            idx_v[pl.ds(k * 16, 16)] = jnp.where(a >= V_PAD, a - V_PAD, a)
            return _

        lax.fori_loop(0, b_per_w // 16, mod_body, 0)
        pltpu.async_copy(table2_hbm.at[idx_v], rows_v, sem).wait()
        pltpu.sync_copy(rows_v, out_hbm.at[pl.ds(base, b_per_w)])

    return gather_k


RP_COLS = 1024
RP_GRID = 49
V_PAD = RP_COLS * RP_GRID


def _repack_body(ttl_ref, ttr_ref, out_ref):
    blk = jnp.concatenate([ttl_ref[...], ttr_ref[...]], axis=0)
    out_ref[...] = jnp.transpose(blk)


def _repack(tt, interpret=False):
    return pl.pallas_call(
        _repack_body,
        grid=(RP_GRID,),
        in_specs=[
            pl.BlockSpec((D_ATOM, RP_COLS), lambda i: (0, i)),
            pl.BlockSpec((D_ATOM, RP_COLS), lambda i: (0, i + RP_GRID)),
        ],
        out_specs=pl.BlockSpec((RP_COLS, 128), lambda i: (i, 0)),
        out_shape=jax.ShapeDtypeStruct((V_PAD, 128), jnp.float32),
        interpret=interpret,
    )(tt, tt)


_sc_gather_cache = []


def _sc_gather(table, idx):
    if not _sc_gather_cache:
        _sc_gather_cache.append(_make_sc_gather())
    return _sc_gather_cache[0](table, idx)


def _tc_body(t_ref, bid_ref, ffin_ref, atp_ref, atom_ref,
             w1_ref, b1_ref, w2_ref, b2_ref, w3_ref, b3_ref, out_ref, temb_ref):
    @pl.when(pl.program_id(0) == 0)
    def _compute_temb():
        ji = lax.broadcasted_iota(jnp.int32, (D_T, B), 0)
        j = ji.astype(jnp.float32)
        jh = jnp.where(j >= HALF_T, j - HALF_T, j)
        freqs = jnp.exp(jh * (-math.log(10000.0) / HALF_T))
        args = t_ref[...] * freqs
        temb_ref[...] = jnp.where(ji < HALF_T, jnp.sin(args), jnp.cos(args))

    tembT = temb_ref[...]

    ohT = (lax.broadcasted_iota(jnp.int32, (B, ROWS), 0) == bid_ref[...]).astype(jnp.float32)
    t_full = lax.dot_general(ohT, tembT, (((0,), (1,)), ((), ())),
                             preferred_element_type=jnp.float32)

    x = ffin_ref[...]
    h = jnp.maximum(lax.dot_general(x, w1_ref[...], (((0,), (0,)), ((), ())),
                                    preferred_element_type=jnp.float32) + b1_ref[...], 0.0)
    h = jnp.maximum(jnp.dot(h, w2_ref[...], preferred_element_type=jnp.float32) + b2_ref[...], 0.0)
    ff = jnp.dot(h, w3_ref[...], preferred_element_type=jnp.float32) + b3_ref[...]

    par_col = jnp.transpose((atp_ref[...] >= V_PAD).astype(jnp.int32))
    g = atom_ref[...]
    atom = jnp.where(par_col != 0, g[:, D_ATOM:], g[:, :D_ATOM])
    out_ref[...] = jnp.concatenate([atom, t_full, ff], axis=-1)


def _tc_call(t_row, bid_row, ffin, atp_row, atom_emb, w1, b1, w2, b2, w3, b3,
             interpret=False):
    return pl.pallas_call(
        _tc_body,
        grid=(NBLK,),
        in_specs=[
            pl.BlockSpec((1, B), lambda i: (0, 0)),
            pl.BlockSpec((1, ROWS), lambda i: (0, i)),
            pl.BlockSpec((4, ROWS), lambda i: (0, i)),
            pl.BlockSpec((1, ROWS), lambda i: (0, i)),
            pl.BlockSpec((ROWS, 128), lambda i: (i, 0)),
            pl.BlockSpec((4, H), lambda i: (0, 0)),
            pl.BlockSpec((1, H), lambda i: (0, 0)),
            pl.BlockSpec((H, H), lambda i: (0, 0)),
            pl.BlockSpec((1, H), lambda i: (0, 0)),
            pl.BlockSpec((H, D_FF), lambda i: (0, 0)),
            pl.BlockSpec((1, D_FF), lambda i: (0, 0)),
        ],
        out_specs=pl.BlockSpec((ROWS, D_OUT), lambda i: (i, 0)),
        out_shape=jax.ShapeDtypeStruct((BN, D_OUT), jnp.float32),
        scratch_shapes=[pltpu.VMEM((D_T, B), jnp.float32)],
        interpret=interpret,
    )(t_row, bid_row, ffin, atp_row, atom_emb, w1, b1, w2, b2, w3, b3)


def kernel(atom_type, t_interpolant, batch_ids, charge, mass, sigma, epsilon,
           atom_table, W1, b1, W2, b2, W3, b3):
    table2 = _repack(atom_table.T)
    atom_emb = _sc_gather(table2, atom_type.astype(jnp.int32))
    t_row = t_interpolant.astype(jnp.float32).reshape(1, B)
    bid_row = batch_ids.astype(jnp.int32).reshape(1, BN)
    atp_row = atom_type.astype(jnp.int32).reshape(1, BN)
    ffin = jnp.concatenate(
        [charge.astype(jnp.float32).T, mass.astype(jnp.float32).T,
         sigma.astype(jnp.float32).T, epsilon.astype(jnp.float32).T], axis=0)
    return _tc_call(
        t_row, bid_row, ffin, atp_row, atom_emb,
        W1, b1.reshape(1, H), W2, b2.reshape(1, H), W3, b3.reshape(1, D_FF),
    )

# --- scband reference (transcript-rebuilt; emitter-appended) ---
"""Pipeline reference for scband-equilibrium-embedder-39779987095587 (READ-ONLY COPY).

The authoritative reference and input builder live on the scoring server;
editing this copy changes nothing except your own understanding.
"""

import jax, jax.numpy as jnp
import numpy as np

BN = 16384
B = 256
V = 100000
D_ATOM = 64
D_T = 64
D_FF = 128
H = 128

def time_embed(t, dim=D_T):
    # Sinusoidal interpolant-time embedding (TimeEmbed)
    half = dim // 2
    freqs = jnp.exp(-jnp.log(10000.0) * jnp.arange(half, dtype=jnp.float32) / half)
    args = t[:, None] * freqs[None, :]
    return jnp.concatenate([jnp.sin(args), jnp.cos(args)], axis=-1)

def setup_inputs(seed: int = 0) -> dict:
    key = jax.random.key(seed)
    ks = jax.random.split(key, 14)
    atom_type = jax.random.randint(ks[0], (BN,), 0, V)
    t_interpolant = jax.random.uniform(ks[1], (B,), dtype=jnp.float32)
    batch_ids = jnp.sort(jax.random.randint(ks[2], (BN,), 0, B))
    charge = jax.random.normal(ks[3], (BN, 1), dtype=jnp.float32)
    mass = jax.random.normal(ks[4], (BN, 1), dtype=jnp.float32)
    sigma = jax.random.normal(ks[5], (BN, 1), dtype=jnp.float32)
    epsilon = jax.random.normal(ks[6], (BN, 1), dtype=jnp.float32)
    atom_table = jax.random.normal(ks[7], (V, D_ATOM), dtype=jnp.float32) * 0.02
    W1 = jax.random.normal(ks[8], (4, H), dtype=jnp.float32) * 0.5
    b1 = jnp.zeros((H,), dtype=jnp.float32)
    W2 = jax.random.normal(ks[9], (H, H), dtype=jnp.float32) * 0.08
    b2 = jnp.zeros((H,), dtype=jnp.float32)
    W3 = jax.random.normal(ks[10], (H, D_FF), dtype=jnp.float32) * 0.08
    b3 = jnp.zeros((D_FF,), dtype=jnp.float32)
    return {"atom_type": atom_type, "t_interpolant": t_interpolant, "batch_ids": batch_ids,
            "charge": charge, "mass": mass, "sigma": sigma, "epsilon": epsilon,
            "atom_table": atom_table, "W1": W1, "b1": b1, "W2": W2, "b2": b2, "W3": W3, "b3": b3}

def reference(atom_type, t_interpolant, batch_ids, charge, mass, sigma, epsilon,
              atom_table, W1, b1, W2, b2, W3, b3):
    # atom-type embedding lookup (nn.Embedding)
    atom_emb = jnp.take(atom_table, atom_type, axis=0)
    # per-graph time embedding broadcast to nodes via batch vector (gather)
    t_emb = time_embed(t_interpolant.astype(jnp.float32))[batch_ids]
    # force-field MLP on [charge, mass, sigma, epsilon]
    ff_in = jnp.concatenate([charge.astype(jnp.float32), mass.astype(jnp.float32),
                             sigma.astype(jnp.float32), epsilon.astype(jnp.float32)], axis=1)
    h = jax.nn.relu(ff_in @ W1 + b1)
    h = jax.nn.relu(h @ W2 + b2)
    ff_emb = h @ W3 + b3
    f = jnp.concatenate([atom_emb, t_emb, ff_emb], axis=-1)
    return f

if __name__ == "__main__":
    import jax
    _d = setup_inputs()
    print(jax.jit(kernel)(*tuple(_d.values())))

</pallas_src>

<mosaic_0001>
#map = affine_map<(d0, d1) -> (0, 0)>
#map1 = affine_map<(d0, d1) -> (0)>
module attributes {stable_mosaic.version = 14 : i64} {
  func.func @gather_k(%arg0: i32, %arg1: i32, %arg2: memref<50176x128xf32, #tpu.memory_space<hbm>>, %arg3: memref<16384xi32, #tpu.memory_space<hbm>>, %arg4: memref<16384x128xf32, #tpu.memory_space<hbm>>, %arg5: memref<512xi32, #tpu.memory_space<vmem>>, %arg6: memref<512x128xf32, #tpu.memory_space<vmem>>, %arg7: memref<!tpu.dma_semaphore, #tpu.memory_space<semaphore_mem>>) attributes {dimension_semantics = [#tpu.dimension_semantics<core_parallel>, #tpu.dimension_semantics<subcore_parallel>], iteration_bounds = array<i64: 2, 16>, scalar_prefetch = 0 : i64, scratch_operands = 3 : i64, tpu.core_type = #tpu.core_type<sc_vector_subcore>, window_params = [{transform_indices = #map}, {transform_indices = #map1}, {transform_indices = #map}]} {
    %mul3A = arith.constant 2 : i32
    %mul3A_0 = arith.muli %arg1, %mul3A : i32
    %add3A = arith.addi %mul3A_0, %arg0 : i32
    %mul3A_1 = arith.constant 512 : i32
    %mul3A_2 = arith.muli %add3A, %mul3A_1 : i32
    "tpu.region"() ({
      %run_scoped3A = tpu.sem_alloc : memref<!tpu.dma_semaphore, #tpu.memory_space<semaphore_mem>>
      %dma_start3A_12 = tpu.memref_slice %arg3[%mul3A_2] : memref<16384xi32, #tpu.memory_space<hbm>> -> memref<512xi32, #tpu.memory_space<hbm>>
      %dma_start3A_13 = tpu.memref_slice %arg3[%mul3A_2] : memref<16384xi32, #tpu.memory_space<hbm>> -> memref<512xi32, #tpu.memory_space<hbm>>
      tpu.enqueue_dma source(%dma_start3A_13 : memref<512xi32, #tpu.memory_space<hbm>>) target(%arg5 : memref<512xi32, #tpu.memory_space<vmem>>) target_semaphore(%run_scoped3A : memref<!tpu.dma_semaphore, #tpu.memory_space<semaphore_mem>>)
      %dma_wait3A_14 = tpu.memref_slice %arg3[%mul3A_2] : memref<16384xi32, #tpu.memory_space<hbm>> -> memref<512xi32, #tpu.memory_space<hbm>>
      %dma_wait3A_15 = tpu.memref_slice %arg3[%mul3A_2] : memref<16384xi32, #tpu.memory_space<hbm>> -> memref<512xi32, #tpu.memory_space<hbm>>
      tpu.wait_dma2 semaphore(%run_scoped3A : memref<!tpu.dma_semaphore, #tpu.memory_space<semaphore_mem>>) src(%dma_wait3A_15 : memref<512xi32, #tpu.memory_space<hbm>>) dst(%arg5 : memref<512xi32, #tpu.memory_space<vmem>>)
      tpu.yield
    }) : () -> ()
    %scan3A = arith.constant 0 : i32
    %scan3A_3 = arith.constant 0 : i32
    %scan3A_4 = arith.constant 32 : i32
    %scan3A_5 = arith.addi %scan3A_3, %scan3A_4 : i32
    %scan3A_6 = arith.constant 1 : i32
    scf.for %scan3A_12 = %scan3A_3 to %scan3A_5 step %scan3A_6  : i32 {
      %mul3A_13 = arith.constant 16 : i32
      %mul3A_14 = arith.muli %scan3A_12, %mul3A_13 : i32
      %get3A = arith.index_cast %mul3A_14 : i32 to index
      %get3A_15 = tpu.vector_load %arg5[%get3A] {strides = array<i32>} : memref<512xi32, #tpu.memory_space<vmem>>, vector<16xi32>,
      %get3A_16 = vector.shape_cast %get3A_15 : vector<16xi32> to vector<16xi32>
      %ge3A = arith.constant 50176 : i32
      %ge3A_17 = vector.broadcast %ge3A : i32 to vector<16xi32>
      %ge3A_18 = arith.cmpi sge, %get3A_16, %ge3A_17 : vector<16xi32>
      %sub3A = arith.constant 50176 : i32
      %sub3A_19 = vector.broadcast %sub3A : i32 to vector<16xi32>
      %sub3A_20 = arith.subi %get3A_16, %sub3A_19 : vector<16xi32>
      %select_n3A = arith.select %ge3A_18, %sub3A_20, %get3A_16 : vector<16xi1>, vector<16xi32>
      %mul3A_21 = arith.constant 16 : i32
      %mul3A_22 = arith.muli %scan3A_12, %mul3A_21 : i32
      %swap3A = arith.index_cast %mul3A_22 : i32 to index
      %swap3A_23 = tpu.vector_load %arg5[%swap3A] {strides = array<i32>} : memref<512xi32, #tpu.memory_space<vmem>>, vector<16xi32>,
      %swap3A_24 = vector.shape_cast %swap3A_23 : vector<16xi32> to vector<16xi32>
      %swap3A_25 = vector.shape_cast %select_n3A : vector<16xi32> to vector<16xi32>
      tpu.vector_store %arg5[%swap3A], %swap3A_25 {strides = array<i32>} : memref<512xi32, #tpu.memory_space<vmem>>, vector<16xi32>,
    }
    %scan3A_7 = arith.constant 32 : i32
    %dma_start3A = arith.constant 0 : i32
    %dma_start3A_8 = arith.constant 0 : i32
    %dma_start3A_9 = tpu.memref_slice %arg2[%dma_start3A, %dma_start3A_8] : memref<50176x128xf32, #tpu.memory_space<hbm>> -> memref<50176x128xf32, #tpu.memory_space<hbm>>
    tpu.enqueue_indirect_dma source(%dma_start3A_9 : memref<50176x128xf32, #tpu.memory_space<hbm>>) target(%arg6 : memref<512x128xf32, #tpu.memory_space<vmem>>) offsets(%arg5 : memref<512xi32, #tpu.memory_space<vmem>>) semaphore(%arg7 : memref<!tpu.dma_semaphore, #tpu.memory_space<semaphore_mem>>)
    %dma_wait3A = arith.constant 0 : i32
    %dma_wait3A_10 = arith.constant 0 : i32
    %dma_wait3A_11 = tpu.memref_slice %arg2[%dma_wait3A, %dma_wait3A_10] : memref<50176x128xf32, #tpu.memory_space<hbm>> -> memref<50176x128xf32, #tpu.memory_space<hbm>>
    tpu.wait_indirect_dma semaphore(%arg7 : memref<!tpu.dma_semaphore, #tpu.memory_space<semaphore_mem>>) src(%dma_wait3A_11 : memref<50176x128xf32, #tpu.memory_space<hbm>>) dst(%arg6 : memref<512x128xf32, #tpu.memory_space<vmem>>)
    "tpu.region"() ({
      %run_scoped3A = tpu.sem_alloc : memref<!tpu.dma_semaphore, #tpu.memory_space<semaphore_mem>>
      %dma_start3A_12 = arith.constant 0 : i32
      %dma_start3A_13 = tpu.memref_slice %arg4[%mul3A_2, %dma_start3A_12] : memref<16384x128xf32, #tpu.memory_space<hbm>> -> memref<512x128xf32, #tpu.memory_space<hbm>>
      %dma_start3A_14 = arith.constant 0 : i32
      %dma_start3A_15 = tpu.memref_slice %arg4[%mul3A_2, %dma_start3A_14] : memref<16384x128xf32, #tpu.memory_space<hbm>> -> memref<512x128xf32, #tpu.memory_space<hbm>>
      tpu.enqueue_dma source(%arg6 : memref<512x128xf32, #tpu.memory_space<vmem>>) target(%dma_start3A_15 : memref<512x128xf32, #tpu.memory_space<hbm>>) target_semaphore(%run_scoped3A : memref<!tpu.dma_semaphore, #tpu.memory_space<semaphore_mem>>)
      %dma_wait3A_16 = arith.constant 0 : i32
      %dma_wait3A_17 = tpu.memref_slice %arg4[%mul3A_2, %dma_wait3A_16] : memref<16384x128xf32, #tpu.memory_space<hbm>> -> memref<512x128xf32, #tpu.memory_space<hbm>>
      %dma_wait3A_18 = arith.constant 0 : i32
      %dma_wait3A_19 = tpu.memref_slice %arg4[%mul3A_2, %dma_wait3A_18] : memref<16384x128xf32, #tpu.memory_space<hbm>> -> memref<512x128xf32, #tpu.memory_space<hbm>>
      tpu.wait_dma2 semaphore(%run_scoped3A : memref<!tpu.dma_semaphore, #tpu.memory_space<semaphore_mem>>) src(%arg6 : memref<512x128xf32, #tpu.memory_space<vmem>>) dst(%dma_wait3A_19 : memref<512x128xf32, #tpu.memory_space<hbm>>)
      tpu.yield
    }) : () -> ()
    return
  }
}

module attributes {stable_mosaic.version = 14 : i64} {
  func.func @_repack_body(%arg0: i32, %arg1: memref<64x1024xf32, #tpu.memory_space<vmem>>, %arg2: memref<64x1024xf32, #tpu.memory_space<vmem>>, %arg3: memref<1024x128xf32, #tpu.memory_space<vmem>>) attributes {dimension_semantics = [#tpu.dimension_semantics<arbitrary>], iteration_bounds = array<i64: 49>, scalar_prefetch = 0 : i64, scratch_operands = 0 : i64, tpu.core_type = #tpu.core_type<tc>, window_params = [{transform_indices = @transform_0, window_bounds = array<i64: 64, 1024>}, {transform_indices = @transform_1, window_bounds = array<i64: 64, 1024>}, {transform_indices = @transform_2, window_bounds = array<i64: 1024, 128>}]} {
    %get3A = arith.constant 0 : index
    %get3A_0 = arith.constant 0 : index
    %get3A_1 = vector.load %arg1[%get3A, %get3A_0] : memref<64x1024xf32, #tpu.memory_space<vmem>>, vector<64x1024xf32>
    %get3A_2 = arith.constant 0 : index
    %get3A_3 = arith.constant 0 : index
    %get3A_4 = vector.load %arg2[%get3A_2, %get3A_3] : memref<64x1024xf32, #tpu.memory_space<vmem>>, vector<64x1024xf32>
    %concatenate3A = tpu.concatenate %get3A_1, %get3A_4 in 0 : vector<64x1024xf32>, vector<64x1024xf32> -> vector<128x1024xf32>
    %transpose3A = tpu.transpose %concatenate3A, [1, 0] : vector<128x1024xf32> -> vector<1024x128xf32>
    %swap3A = arith.constant 0 : index
    %swap3A_5 = arith.constant 0 : index
    %swap3A_6 = vector.load %arg3[%swap3A, %swap3A_5] : memref<1024x128xf32, #tpu.memory_space<vmem>>, vector<1024x128xf32>
    tpu.vector_store %arg3[%swap3A, %swap3A_5], %transpose3A {strides = array<i32>} : memref<1024x128xf32, #tpu.memory_space<vmem>>, vector<1024x128xf32>,
    return
  }
  func.func @transform_0(%arg0: i32) -> (i32, i32) {
    %c0_i32 = arith.constant 0 : i32
    %c0_i32_0 = arith.constant 0 : i32
    return %c0_i32, %arg0 : i32, i32
  }
  func.func @transform_1(%arg0: i32) -> (i32, i32) {
    %add3A = arith.constant 49 : i32
    %add3A_0 = arith.addi %arg0, %add3A : i32
    %c0_i32 = arith.constant 0 : i32
    %c0_i32_1 = arith.constant 0 : i32
    return %c0_i32, %add3A_0 : i32, i32
  }
  func.func @transform_2(%arg0: i32) -> (i32, i32) {
    %c0_i32 = arith.constant 0 : i32
    %c0_i32_0 = arith.constant 0 : i32
    return %arg0, %c0_i32 : i32, i32
  }
}

module attributes {stable_mosaic.version = 14 : i64} {
  func.func @_tc_body(%arg0: i32, %arg1: memref<1x256xf32, #tpu.memory_space<vmem>>, %arg2: memref<1x2048xi32, #tpu.memory_space<vmem>>, %arg3: memref<4x2048xf32, #tpu.memory_space<vmem>>, %arg4: memref<1x2048xi32, #tpu.memory_space<vmem>>, %arg5: memref<2048x128xf32, #tpu.memory_space<vmem>>, %arg6: memref<4x128xf32, #tpu.memory_space<vmem>>, %arg7: memref<1x128xf32, #tpu.memory_space<vmem>>, %arg8: memref<128x128xf32, #tpu.memory_space<vmem>>, %arg9: memref<1x128xf32, #tpu.memory_space<vmem>>, %arg10: memref<128x128xf32, #tpu.memory_space<vmem>>, %arg11: memref<1x128xf32, #tpu.memory_space<vmem>>, %arg12: memref<2048x256xf32, #tpu.memory_space<vmem>>, %arg13: memref<64x256xf32, #tpu.memory_space<vmem>>) attributes {dimension_semantics = [#tpu.dimension_semantics<arbitrary>], iteration_bounds = array<i64: 8>, scalar_prefetch = 0 : i64, scratch_operands = 1 : i64, tpu.core_type = #tpu.core_type<tc>, window_params = [{pipeline_mode = #tpu.pipeline_mode<synchronous>, transform_indices = @transform_0, window_bounds = array<i64: 1, 256>}, {transform_indices = @transform_1, window_bounds = array<i64: 1, 2048>}, {transform_indices = @transform_2, window_bounds = array<i64: 4, 2048>}, {transform_indices = @transform_3, window_bounds = array<i64: 1, 2048>}, {transform_indices = @transform_4, window_bounds = array<i64: 2048, 128>}, {pipeline_mode = #tpu.pipeline_mode<synchronous>, transform_indices = @transform_5, window_bounds = array<i64: 4, 128>}, {pipeline_mode = #tpu.pipeline_mode<synchronous>, transform_indices = @transform_6, window_bounds = array<i64: 1, 128>}, {pipeline_mode = #tpu.pipeline_mode<synchronous>, transform_indices = @transform_7, window_bounds = array<i64: 128, 128>}, {pipeline_mode = #tpu.pipeline_mode<synchronous>, transform_indices = @transform_8, window_bounds = array<i64: 1, 128>}, {pipeline_mode = #tpu.pipeline_mode<synchronous>, transform_indices = @transform_9, window_bounds = array<i64: 128, 128>}, {pipeline_mode = #tpu.pipeline_mode<synchronous>, transform_indices = @transform_10, window_bounds = array<i64: 1, 128>}, {transform_indices = @transform_11, window_bounds = array<i64: 2048, 256>}]} {
    %eq3A = arith.constant 0 : i32
    %eq3A_0 = arith.cmpi eq, %arg0, %eq3A : i32
    %convert_element_type3A = arith.extui %eq3A_0 : i1 to i32
    %cond3A = arith.constant 0 : i32
    %cond3A_1 = arith.cmpi ne, %convert_element_type3A, %cond3A : i32
    scf.if %cond3A_1 {
      %iota3A_64 = tpu.iota {dimensions = array<i32: 0>} : vector<64x256xi32>
      %convert_element_type3A_65 = arith.sitofp %iota3A_64 : vector<64x256xi32> to vector<64x256xf32>
      %ge3A_66 = arith.constant 3.200000e+01 : f32
      %ge3A_67 = vector.broadcast %ge3A_66 : f32 to vector<64x256xf32>
      %ge3A_68 = arith.cmpf oge, %convert_element_type3A_65, %ge3A_67 : vector<64x256xf32>
      %sub3A = arith.constant 3.200000e+01 : f32
      %sub3A_69 = vector.broadcast %sub3A : f32 to vector<64x256xf32>
      %sub3A_70 = arith.subf %convert_element_type3A_65, %sub3A_69 : vector<64x256xf32>
      %select_n3A_71 = arith.select %ge3A_68, %sub3A_70, %convert_element_type3A_65 : vector<64x256xi1>, vector<64x256xf32>
      %mul3A = arith.constant -0.287823141 : f32
      %mul3A_72 = vector.broadcast %mul3A : f32 to vector<64x256xf32>
      %mul3A_73 = arith.mulf %select_n3A_71, %mul3A_72 : vector<64x256xf32>
      %exp3A = math.exp %mul3A_73 : vector<64x256xf32>
      %get3A_74 = arith.constant 0 : index
      %get3A_75 = arith.constant 0 : index
      %get3A_76 = vector.load %arg1[%get3A_74, %get3A_75] : memref<1x256xf32, #tpu.memory_space<vmem>>, vector<1x256xf32>
      %mul3A_77 = vector.broadcast %get3A_76 : vector<1x256xf32> to vector<64x256xf32>
      %mul3A_78 = arith.mulf %mul3A_77, %exp3A : vector<64x256xf32>
      %lt3A = arith.constant 32 : i32
      %lt3A_79 = vector.broadcast %lt3A : i32 to vector<64x256xi32>
      %lt3A_80 = arith.cmpi slt, %iota3A_64, %lt3A_79 : vector<64x256xi32>
      %sin3A = math.sin %mul3A_78 : vector<64x256xf32>
      %cos3A = math.cos %mul3A_78 : vector<64x256xf32>
      %select_n3A_81 = arith.select %lt3A_80, %sin3A, %cos3A : vector<64x256xi1>, vector<64x256xf32>
      %swap3A_82 = arith.constant 0 : index
      %swap3A_83 = arith.constant 0 : index
      %swap3A_84 = vector.load %arg13[%swap3A_82, %swap3A_83] : memref<64x256xf32, #tpu.memory_space<vmem>>, vector<64x256xf32>
      tpu.vector_store %arg13[%swap3A_82, %swap3A_83], %select_n3A_81 {strides = array<i32>} : memref<64x256xf32, #tpu.memory_space<vmem>>, vector<64x256xf32>,
    } else {
    }
    %get3A = arith.constant 0 : index
    %get3A_2 = arith.constant 0 : index
    %get3A_3 = vector.load %arg13[%get3A, %get3A_2] : memref<64x256xf32, #tpu.memory_space<vmem>>, vector<64x256xf32>
    %iota3A = tpu.iota {dimensions = array<i32: 0>} : vector<256x2048xi32>
    %get3A_4 = arith.constant 0 : index
    %get3A_5 = arith.constant 0 : index
    %get3A_6 = vector.load %arg2[%get3A_4, %get3A_5] : memref<1x2048xi32, #tpu.memory_space<vmem>>, vector<1x2048xi32>
    %eq3A_7 = vector.broadcast %get3A_6 : vector<1x2048xi32> to vector<256x2048xi32>
    %eq3A_8 = arith.cmpi eq, %iota3A, %eq3A_7 : vector<256x2048xi32>
    %convert_element_type3A_9 = arith.extui %eq3A_8 : vector<256x2048xi1> to vector<256x2048xi32>
    %convert_element_type3A_10 = arith.sitofp %convert_element_type3A_9 : vector<256x2048xi32> to vector<256x2048xf32>
    %dot_general3A = arith.constant dense<0.000000e+00> : vector<2048x64xf32>
    %dot_general3A_11 = tpu.matmul %convert_element_type3A_10, %get3A_3, %dot_general3A {dimension_numbers = #tpu.dot_dimension_numbers<[0], [1], [1], [0], [0, 1, 1, 0], [], []>, transpose_lhs_hint = false} : vector<256x2048xf32>, vector<64x256xf32>, vector<2048x64xf32> -> vector<2048x64xf32>
    %get3A_12 = arith.constant 0 : index
    %get3A_13 = arith.constant 0 : index
    %get3A_14 = vector.load %arg3[%get3A_12, %get3A_13] : memref<4x2048xf32, #tpu.memory_space<vmem>>, vector<4x2048xf32>
    %get3A_15 = arith.constant 0 : index
    %get3A_16 = arith.constant 0 : index
    %get3A_17 = vector.load %arg6[%get3A_15, %get3A_16] : memref<4x128xf32, #tpu.memory_space<vmem>>, vector<4x128xf32>
    %dot_general3A_18 = arith.constant dense<0.000000e+00> : vector<2048x128xf32>
    %dot_general3A_19 = tpu.matmul %get3A_14, %get3A_17, %dot_general3A_18 {dimension_numbers = #tpu.dot_dimension_numbers<[0], [0], [1], [1], [0, 1, 1, 1], [], []>, transpose_lhs_hint = false} : vector<4x2048xf32>, vector<4x128xf32>, vector<2048x128xf32> -> vector<2048x128xf32>
    %get3A_20 = arith.constant 0 : index
    %get3A_21 = arith.constant 0 : index
    %get3A_22 = vector.load %arg7[%get3A_20, %get3A_21] : memref<1x128xf32, #tpu.memory_space<vmem>>, vector<1x128xf32>
    %add3A = vector.broadcast %get3A_22 : vector<1x128xf32> to vector<2048x128xf32>
    %add3A_23 = arith.addf %dot_general3A_19, %add3A : vector<2048x128xf32>
    %max3A = arith.constant 0.000000e+00 : f32
    %max3A_24 = vector.broadcast %max3A : f32 to vector<2048x128xf32>
    %max3A_25 = arith.maximumf %add3A_23, %max3A_24 : vector<2048x128xf32>
    %get3A_26 = arith.constant 0 : index
    %get3A_27 = arith.constant 0 : index
    %get3A_28 = vector.load %arg8[%get3A_26, %get3A_27] : memref<128x128xf32, #tpu.memory_space<vmem>>, vector<128x128xf32>
    %dot_general3A_29 = arith.constant dense<0.000000e+00> : vector<2048x128xf32>
    %dot_general3A_30 = tpu.matmul %max3A_25, %get3A_28, %dot_general3A_29 {dimension_numbers = #tpu.dot_dimension_numbers<[1], [0], [0], [1], [0, 0, 1, 1], [], []>, transpose_lhs_hint = false} : vector<2048x128xf32>, vector<128x128xf32>, vector<2048x128xf32> -> vector<2048x128xf32>
    %get3A_31 = arith.constant 0 : index
    %get3A_32 = arith.constant 0 : index
    %get3A_33 = vector.load %arg9[%get3A_31, %get3A_32] : memref<1x128xf32, #tpu.memory_space<vmem>>, vector<1x128xf32>
    %add3A_34 = vector.broadcast %get3A_33 : vector<1x128xf32> to vector<2048x128xf32>
    %add3A_35 = arith.addf %dot_general3A_30, %add3A_34 : vector<2048x128xf32>
    %max3A_36 = arith.constant 0.000000e+00 : f32
    %max3A_37 = vector.broadcast %max3A_36 : f32 to vector<2048x128xf32>
    %max3A_38 = arith.maximumf %add3A_35, %max3A_37 : vector<2048x128xf32>
    %get3A_39 = arith.constant 0 : index
    %get3A_40 = arith.constant 0 : index
    %get3A_41 = vector.load %arg10[%get3A_39, %get3A_40] : memref<128x128xf32, #tpu.memory_space<vmem>>, vector<128x128xf32>
    %dot_general3A_42 = arith.constant dense<0.000000e+00> : vector<2048x128xf32>
    %dot_general3A_43 = tpu.matmul %max3A_38, %get3A_41, %dot_general3A_42 {dimension_numbers = #tpu.dot_dimension_numbers<[1], [0], [0], [1], [0, 0, 1, 1], [], []>, transpose_lhs_hint = false} : vector<2048x128xf32>, vector<128x128xf32>, vector<2048x128xf32> -> vector<2048x128xf32>
    %get3A_44 = arith.constant 0 : index
    %get3A_45 = arith.constant 0 : index
    %get3A_46 = vector.load %arg11[%get3A_44, %get3A_45] : memref<1x128xf32, #tpu.memory_space<vmem>>, vector<1x128xf32>
    %add3A_47 = vector.broadcast %get3A_46 : vector<1x128xf32> to vector<2048x128xf32>
    %add3A_48 = arith.addf %dot_general3A_43, %add3A_47 : vector<2048x128xf32>
    %get3A_49 = arith.constant 0 : index
    %get3A_50 = arith.constant 0 : index
    %get3A_51 = vector.load %arg4[%get3A_49, %get3A_50] : memref<1x2048xi32, #tpu.memory_space<vmem>>, vector<1x2048xi32>
    %ge3A = arith.constant 50176 : i32
    %ge3A_52 = vector.broadcast %ge3A : i32 to vector<1x2048xi32>
    %ge3A_53 = arith.cmpi sge, %get3A_51, %ge3A_52 : vector<1x2048xi32>
    %convert_element_type3A_54 = arith.extui %ge3A_53 : vector<1x2048xi1> to vector<1x2048xi32>
    %transpose3A = tpu.transpose %convert_element_type3A_54, [1, 0] : vector<1x2048xi32> -> vector<2048x1xi32>
    %get3A_55 = arith.constant 0 : index
    %get3A_56 = arith.constant 0 : index
    %get3A_57 = vector.load %arg5[%get3A_55, %get3A_56] : memref<2048x128xf32, #tpu.memory_space<vmem>>, vector<2048x128xf32>
    %ne3A = arith.constant 0 : i32
    %ne3A_58 = vector.broadcast %ne3A : i32 to vector<2048x1xi32>
    %ne3A_59 = arith.cmpi ne, %transpose3A, %ne3A_58 : vector<2048x1xi32>
    %slice3A = vector.extract_strided_slice %get3A_57 {offsets = [0, 64], sizes = [2048, 64], strides = [1, 1]} : vector<2048x128xf32> to vector<2048x64xf32>
    %slice3A_60 = vector.extract_strided_slice %get3A_57 {offsets = [0, 0], sizes = [2048, 64], strides = [1, 1]} : vector<2048x128xf32> to vector<2048x64xf32>
    %broadcast_in_dim3A = vector.shape_cast %ne3A_59 : vector<2048x1xi1> to vector<2048x1xi1>
    %broadcast_in_dim3A_61 = vector.broadcast %broadcast_in_dim3A : vector<2048x1xi1> to vector<2048x64xi1>
    %select_n3A = arith.select %broadcast_in_dim3A_61, %slice3A, %slice3A_60 : vector<2048x64xi1>, vector<2048x64xf32>
    %concatenate3A = tpu.concatenate %select_n3A, %dot_general3A_11, %add3A_48 in 1 : vector<2048x64xf32>, vector<2048x64xf32>, vector<2048x128xf32> -> vector<2048x256xf32>
    %swap3A = arith.constant 0 : index
    %swap3A_62 = arith.constant 0 : index
    %swap3A_63 = vector.load %arg12[%swap3A, %swap3A_62] : memref<2048x256xf32, #tpu.memory_space<vmem>>, vector<2048x256xf32>
    tpu.vector_store %arg12[%swap3A, %swap3A_62], %concatenate3A {strides = array<i32>} : memref<2048x256xf32, #tpu.memory_space<vmem>>, vector<2048x256xf32>,
    return
  }
  func.func @transform_0(%arg0: i32) -> (i32, i32) {
    %c0_i32 = arith.constant 0 : i32
    %c0_i32_0 = arith.constant 0 : i32
    %c0_i32_1 = arith.constant 0 : i32
    return %c0_i32, %c0_i32_0 : i32, i32
  }
  func.func @transform_1(%arg0: i32) -> (i32, i32) {
    %c0_i32 = arith.constant 0 : i32
    %c0_i32_0 = arith.constant 0 : i32
    return %c0_i32, %arg0 : i32, i32
  }
  func.func @transform_2(%arg0: i32) -> (i32, i32) {
    %c0_i32 = arith.constant 0 : i32
    %c0_i32_0 = arith.constant 0 : i32
    return %c0_i32, %arg0 : i32, i32
  }
  func.func @transform_3(%arg0: i32) -> (i32, i32) {
    %c0_i32 = arith.constant 0 : i32
    %c0_i32_0 = arith.constant 0 : i32
    return %c0_i32, %arg0 : i32, i32
  }
  func.func @transform_4(%arg0: i32) -> (i32, i32) {
    %c0_i32 = arith.constant 0 : i32
    %c0_i32_0 = arith.constant 0 : i32
    return %arg0, %c0_i32 : i32, i32
  }
  func.func @transform_5(%arg0: i32) -> (i32, i32) {
    %c0_i32 = arith.constant 0 : i32
    %c0_i32_0 = arith.constant 0 : i32
    %c0_i32_1 = arith.constant 0 : i32
    return %c0_i32, %c0_i32_0 : i32, i32
  }
  func.func @transform_6(%arg0: i32) -> (i32, i32) {
    %c0_i32 = arith.constant 0 : i32
    %c0_i32_0 = arith.constant 0 : i32
    %c0_i32_1 = arith.constant 0 : i32
    return %c0_i32, %c0_i32_0 : i32, i32
  }
  func.func @transform_7(%arg0: i32) -> (i32, i32) {
    %c0_i32 = arith.constant 0 : i32
    %c0_i32_0 = arith.constant 0 : i32
    %c0_i32_1 = arith.constant 0 : i32
    return %c0_i32, %c0_i32_0 : i32, i32
  }
  func.func @transform_8(%arg0: i32) -> (i32, i32) {
    %c0_i32 = arith.constant 0 : i32
    %c0_i32_0 = arith.constant 0 : i32
    %c0_i32_1 = arith.constant 0 : i32
    return %c0_i32, %c0_i32_0 : i32, i32
  }
  func.func @transform_9(%arg0: i32) -> (i32, i32) {
    %c0_i32 = arith.constant 0 : i32
    %c0_i32_0 = arith.constant 0 : i32
    %c0_i32_1 = arith.constant 0 : i32
    return %c0_i32, %c0_i32_0 : i32, i32
  }
  func.func @transform_10(%arg0: i32) -> (i32, i32) {
    %c0_i32 = arith.constant 0 : i32
    %c0_i32_0 = arith.constant 0 : i32
    %c0_i32_1 = arith.constant 0 : i32
    return %c0_i32, %c0_i32_0 : i32, i32
  }
  func.func @transform_11(%arg0: i32) -> (i32, i32) {
    %c0_i32 = arith.constant 0 : i32
    %c0_i32_0 = arith.constant 0 : i32
    return %arg0, %c0_i32 : i32, i32
  }
}

</mosaic_0001>

<sc_bundles>
// kernel: kernel.5.cloned.1.call-start
scs
__scs_entry_jumppad:
0x0: {  	(pc) =	sbr.rel $0x88, $3  }
0x1: {  	(tag) =	ssettag $0x0;
	lr =	simm.s32 $0x1  }
0x2: {  	[smem:$0x3F93] =	sst lr;
	_ =	strace $0xD0000000  }
0x3: {  	_ = 	snop  }
0x4: {  	_ = 	snop  }
0x5: {  	_ = 	snop  }
0x6: {  	_ = 	snop  }
0x7: {  	_ = 	snop  }
__scs_overlays_trampoline_lowered:
0x8: {  	[smem:$0x3FA2] =	sst s0  }
0x9: {  	[smem:$0x3FA3] =	sst s1  }
0xa: {  	[smem:$0x3FA4] =	sst s2  }
0xb: {  	[smem:$0x3FA5] =	sst s3  }
0xc: {  	[smem:$0x3FA6] =	sst s4  }
0xd: {  	[smem:$0x3FA7] =	sst s5  }
0xe: {  	[smem:$0x3FA8] =	sst s6  }
0xf: {  	[smem:$0x3FA9] =	sst s7  }
0x10: {  	[smem:$0x3FAA] =	sst s8  }
0x11: {  	[smem:$0x3FAB] =	sst s9;
	s0 =	simm.s32 @!p0 $0x0  }
0x12: {  	s1 =	sld [smem:$0x3F91];
	s0 =	simm.s32 @p0 $0x1  }
0x13: {  	[smem:$0x3FAC] =	sst s0;
	s0 =	simm.s32 @!p1 $0x0  }
0x14: {  	s2 =	sld [smem:$0x3F90];
	s0 =	simm.s32 @p1 $0x1  }
0x15: {  	[smem:$0x3FAD] =	sst s0;
	s0 =	simm.s32 @!p2 $0x0  }
0x16: {  	s3 =	sld [smem:$0x3FDB];
	s0 =	simm.s32 @p2 $0x1  }
0x17: {  	s4 =	simm.s32 $0x1BF5;
	[smem:$0x3FAF] =	sst s0  }
0x18: {  	s0 =	sld [smem:$0x3F92];
	_ =	swait.ge [sflag:s4], $0x0  }
0x19: {  	s7 =	sld [smem:$0x3F93]  }
0x1a: {  	s8 =	sadd.s32 $0xFFFFE003, lr  }
0x1b: {  	s9 =	sadd.s32 $0xFFFFFEF7, lr;
	s5 =	simm.s32 $0xFFFFFFFF;
	p2 =	slt.u32 s8, $0xFFFFF086  }
0x1c: {  	p1 =	slt.u32 s9, $0xF7A;
	s5 =	simm.s32 @!p2 $0x0  }
0x1d: {  	s5 =	simm.s32 @p1 $0x1;
	p0 =	seq.s32 s7, s2  }
0x1e: {  	s7 =	smul.u32 @!p0 $0xF7A, s2;
	p2 =	seq.s32 @!p0 s5, $0x0  }
0x1f: {  	s9 =	smul.u32 $0xF7A, s1;
	s8 =	simm.s32 @!p0 $0x1BF5;
	p2 =	por !p2, p0  }
0x20: {  	[sflag:s8] =	ssyncset.s32 @!p0 $0xFFFFF086;
	s6 =	sadd.s32 @!p0 s3, s7;
	s7 =	simm.s32 @!p0 $0x108  }
0x21: {  	s3 =	sadd.s32 s3, s9;
	s6 =	sadd.s32 @!p0 $0x88, s6;
	s7 =	simm.s32 @p2 $0x1082  }
0x22: {  	[simem:s7], [sflag:s8] =	dma.local @!p0 [hbm:s6], $0xF7A  }
0x23: {  	s9 =	sor.u32 $0xD0000000, s2;
	s6 =	simm.s32 $0x108;
	_ =	swait.ge @!p0 [sflag:s8], $0x0  }
0x24: {  	s3 =	sadd.s32 $0x88, s3;
	s6 =	simm.s32 @!p1 $0x1082;
	[sflag:s4] =	ssyncset.s32 $0xFFFFF086  }
0x25: {  	[simem:s6], [sflag:s4] =	dma.local [hbm:s3], $0xF7A  }
0x26: {  	[smem:$0x3F93] =	sst s1;
	(tag) =	ssettag s2;
	_ =	strace s9  }
0x27: {  	s1 =	sld [smem:$0x3FA3]  }
0x28: {  	s2 =	sld [smem:$0x3FA4]  }
0x29: {  	s4 =	sld [smem:$0x3FA6]  }
0x2a: {  	p0 =	seq.s32 s5, $0x0;
	s5 =	sld [smem:$0x3FA7]  }
0x2b: {  	s6 =	sld [smem:$0x3FA8]  }
0x2c: {  	s7 =	sld [smem:$0x3FA9]  }
0x2d: {  	s3 =	simm.s32 $0x108;
	s8 =	sld [smem:$0x3FAA]  }
0x2e: {  	s3 =	simm.s32 @!p0 $0x1082;
	s9 =	sld [smem:$0x3FAB]  }
0x2f: {  	lr =	sadd.s32 s0, s3;
	s0 =	sld [smem:$0x3FA2]  }
0x30: {  	s3 =	sld [smem:$0x3FA5]  }
0x31: {  	[smem:$0x3FAE] =	sst s10  }
0x32: {  	s10 =	sld [smem:$0x3FAC];
	_ =	sdelay $0x3  }
0x33: {  	p0 =	seq.s32 s10, $0x1;
	s10 =	sld [smem:$0x3FAE];
	_ =	sdelay $0x3  }
0x34: {  	[smem:$0x3FAE] =	sst s10  }
0x35: {  	s10 =	sld [smem:$0x3FAD];
	_ =	sdelay $0x3  }
0x36: {  	p1 =	seq.s32 s10, $0x1;
	s10 =	sld [smem:$0x3FAE];
	_ =	sdelay $0x3  }
0x37: {  	[smem:$0x3FAE] =	sst s10  }
0x38: {  	s10 =	sld [smem:$0x3FAF]  }
0x39: {  	_ = 	snop;
	(pc) =	sbr.ind lr, $3  }
0x3a: {  	_ = 	snop  }
0x3b: {  	_ = 	snop  }
0x3c: {  	p2 =	seq.s32 s10, $0x1;
	s10 =	sld [smem:$0x3FAE]  }
0x3d: {  	_ =	shalt  }
0x3e: {  	_ =	shalt  }
0x3f: {  	_ =	shalt  }
0x40: {  	_ =	shalt  }
0x41: {  	_ =	shalt  }
0x42: {  	_ =	shalt  }
0x43: {  	_ =	shalt  }
0x44: {  	_ =	shalt  }
0x45: {  	_ =	shalt  }
0x46: {  	_ =	shalt  }
0x47: {  	_ =	shalt  }
0x48: {  	_ =	shalt  }
0x49: {  	_ =	shalt  }
0x4a: {  	_ =	shalt  }
0x4b: {  	_ =	shalt  }
0x4c: {  	_ =	shalt  }
0x4d: {  	_ =	shalt  }
0x4e: {  	_ =	shalt  }
0x4f: {  	_ =	shalt  }
0x50: {  	_ =	shalt  }
0x51: {  	_ =	shalt  }
0x52: {  	_ =	shalt  }
0x53: {  	_ =	shalt  }
0x54: {  	_ =	shalt  }
0x55: {  	_ =	shalt  }
0x56: {  	_ =	shalt  }
0x57: {  	_ =	shalt  }
0x58: {  	_ =	shalt  }
0x59: {  	_ =	shalt  }
0x5a: {  	_ =	shalt  }
0x5b: {  	_ =	shalt  }
0x5c: {  	_ =	shalt  }
0x5d: {  	_ =	shalt  }
0x5e: {  	_ =	shalt  }
0x5f: {  	_ =	shalt  }
0x60: {  	_ =	shalt  }
0x61: {  	_ =	shalt  }
0x62: {  	_ =	shalt  }
0x63: {  	_ =	shalt  }
0x64: {  	_ =	shalt  }
0x65: {  	_ =	shalt  }
0x66: {  	_ =	shalt  }
0x67: {  	_ =	shalt  }
0x68: {  	_ =	shalt  }
0x69: {  	_ =	shalt  }
0x6a: {  	_ =	shalt  }
0x6b: {  	_ =	shalt  }
0x6c: {  	_ =	shalt  }
0x6d: {  	_ =	shalt  }
0x6e: {  	_ =	shalt  }
0x6f: {  	_ =	shalt  }
0x70: {  	_ =	shalt  }
0x71: {  	_ =	shalt  }
0x72: {  	_ =	shalt  }
0x73: {  	_ =	shalt  }
0x74: {  	_ =	shalt  }
0x75: {  	_ =	shalt  }
0x76: {  	_ =	shalt  }
0x77: {  	_ =	shalt  }
0x78: {  	_ =	shalt  }
0x79: {  	_ =	shalt  }
0x7a: {  	_ =	shalt  }
0x7b: {  	_ =	shalt  }
0x7c: {  	_ =	shalt  }
0x7d: {  	_ =	shalt  }
0x7e: {  	_ =	shalt  }
0x7f: {  	_ =	shalt  }
0x80: {  	_ =	shalt  }
0x81: {  	_ =	shalt  }
0x82: {  	_ =	shalt  }
0x83: {  	_ =	shalt  }
0x84: {  	_ =	shalt  }
0x85: {  	_ =	shalt  }
0x86: {  	_ =	shalt  }
0x87: {  	_ =	shalt  }
.Lfunc_end0:
.L_simem_size_0:
called_computation_lowered:
.L_overlay_start_0:
0x88: {  	s2 =	sld [smem:$0x3FD9]  }
0x89: {  	s3 =	sld [smem:$0x3FFE];
	_ =	sdelay $0x1  }
0x8a: {  	s1 =	srdreg.scid  }
0x8b: {  	s0 =	sand.u32 $0x1, s1  }
0x8c: {  	s17 =	sshll.u32 s0, $0xA;
	s2 =	sadd.s32 s3, s2  }
0x8d: {  	s2 =	sadd.s32 s2, s17  }
0x8e: {  	[smem:$0x3FBA] =	sst s2  }
0x8f: {  	_ = 	snop  }
0x90: {  	s2 =	sld [smem:$0x3FC9]  }
0x91: {  	s18 =	sld [smem:$0x3FD0];
	(tm) =	ssettm $0x1  }
0x92: {  	s4 =	sld [smem:$0x3FFB];
	_ =	sdelay $0x3  }
0x93: {  	_ =	strace s4  }
0x94: {  	s4 =	sld [smem:$0x3FFC];
	_ =	sdelay $0x3  }
0x95: {  	_ =	strace s4  }
0x96: {  	s4 =	sld [smem:$0x3FFD];
	_ =	sdelay $0x3  }
0x97: {  	_ =	strace s4  }
0x98: {  	_ =	strace $0x8FFFFFFF  }
0x99: {  	s19 =	sld [smem:$0x3FDB];
	_ =	sdelay $0x1  }
0x9a: {  	s5 =	simm.s32 $_scs_section_size  }
0x9b: {  	s6 =	simm.s32 $_size__tile_overlayer_lowered;
	s7 =	simm.s32 $_tile_overlayer_lowered  }
0x9c: {  	s22 =	simm.s32 $0x1BFF;
	s21 =	sshll.u32 s7, $0x1;
	s4 =	sadd.s32 s5, s19  }
0x9d: {  	s8 =	simm.s32 $0x0;
	s20 =	sshll.u32 s6, $0x1;
	s6 =	sadd.s32 s21, s4  }
0x9e: {  	[timem:s8], [sflag:s22] =	dma.local [hbm:s6], s20  }
0x9f: {  	_ =	swait.ge [sflag:s22], s20  }
0xa0: {  	s5 =	ssub.s32 $0x0, s20;
	[sflag:s22] =	ssyncset.done $0x0  }
0xa1: {  	[sflag:s22] =	ssyncadd.s32 s5;
	_ =	sdelay $0x1  }
0xa2: {  	s23 =	simm.s32 $0x1B8B  }
0xa3: {  	_ =	swait.ge [sflag:s23], $0x1  }
0xa4: {  	[sflag:s23] =	ssyncset.done $0x0  }
0xa5: {  	s25 =	simm.s32 $0x1B8E;
	s24 =	sld [smem:$0x3FFE];
	[sflag:s23] =	ssyncadd.s32 $0xFFFFFFFF  }
0xa6: {  	s26 =	simm.s32 $execute0_lowered;
	[smem:$0x3FD2] =	sst s25  }
0xa7: {  	s6 =	sshll.u32 s26, $0x1;
	_ =	strace $0x80000046;
	[dreg:$0x1] =	wrdreg $0xFFFFFFFF  }
0xa8: {  	s28 =	simm.s32 $_size_execute0_lowered;
	s4 =	sadd.s32 s4, s6;
	[dreg:$0x0] =	wrdreg $0x0  }
0xa9: {  	s6 =	sshll.u32 s28, $0x1;
	[dreg:$0x2] =	wrdreg s4  }
0xaa: {  	[dreg:$0x3] =	wrdreg s6  }
0xab: {  	[dreg:$0x4] =	wrdreg $0xC0  }
0xac: {  	_ =	task [dreg:s8], $0x5FFFF  }
0xad: {  	[dreg:$0x1] =	wrdreg $0xFFFFFFFF  }
0xae: {  	[dreg:$0x0] =	wrdreg $0x60  }
0xaf: {  	[dreg:$0x2] =	wrdreg s24  }
0xb0: {  	[dreg:$0x3] =	wrdreg s2  }
0xb1: {  	[dreg:$0x4] =	wrdreg s18  }
0xb2: {  	[dreg:$0x5] =	wrdreg $0x9  }
0xb3: {  	_ =	task.clear_ibuf [dreg:s8], $0x6FFFF;
	_ =	strace $0x90000046  }
0xb4: {  	s29 =	simm.s32 $0x9;
	_ =	strace $0x80000048  }
0xb5: {  	_ =	swait.ge [sflag:s29], $0x1  }
0xb6: {  	[sflag:s29] =	ssyncadd.s32 $0xFFFFFFFF  }
0xb7: {  	_ =	strace $0x90000048  }
0xb8: {  	_ =	sfence  }
0xb9: {  	s30 =	sld [smem:$0x0];
	_ =	sdelay $0x2  }
0xba: {  	s31 =	sshll.u32 s1, $0xD;
	s1 =	sshrl.u32 s1, $0x2  }
0xbb: {  	s3 =	sand.u32 $0x4000, s31;
	s1 =	sadd.s32 s1, s30  }
0xbc: {  	s0 =	sor.u32 s3, s0;
	s1 =	sshll.u32 s1, $0x11  }
0xbd: {  	s0 =	sor.u32 s1, s0  }
0xbe: {  	s0 =	sadd.s32 $0x8F2B, s0  }
0xbf: {  	[sflag:s0] =	ssyncadd.remote.s32 $0x1  }
0xc0: {  	_ =	sfence.sel $0xFFFF  }
0xc1: {  	[dreg:$0x0] =	wrdreg $0xFFFFFFFF;
	(pc) =	sbr.abs _section_cstart, $3  }
0xc2: {  	[dreg:$0x1] =	wrdreg $0xFFFFFFFF  }
0xc3: {  	_ =	task.clear_ibuf [dreg:s8], $0x2FFFF;
	_ =	strace $0x9FFFFFFF  }
0xc4: {  	(tm) =	ssettm $0x7FFFFFFF  }
0xc5: {  	_ =	shalt  }
tec
execute0_lowered:
.L_overlay_start_1:
0x0: {  	(tag) =	ssettag $0x1  }
0x1: {  	s3 =	rddreg [dreg:$0x0]  }
0x2: {  	s4 =	rddreg [dreg:$0x1]  }
0x3: {  	s5 =	rddreg [dreg:$0x2]  }
0x4: {  	s0 =	rddreg [dreg:$0x3];
	s6 =	srdreg.scid  }
0x5: {  	s2 =	simm.s32 $0x0;
	s1 =	stileid.u32;
	s10 =	simm.s32 $0x0  }
0x6: {  	s6 =	sand.u32 $0x1, s6;
	[smem:$0x7FF] =	sst s2;
	s7 =	sshll.u32 s1, $0xA  }
0x7: {  	s3 =	sadd.s32 $0x2000, s3;
	s8 =	sshll.u32 s6, $0x9;
	s6 =	ssub.s32 $0x2, s6  }
0x8: {  	_ =	strace $0x80000047;
	s7 =	sor.u32 s8, s7;
	s31 =	sshrl.u32 s6, $0x1  }
0x9: {  	s8 =	simm.s32 $0x200;
	s9 =	sshrl.u32 s7, $0x3;
	s7 =	sshll.u32 s7, $0x4  }
0xa: {  	s6 =	ssub.s32 s6, s31;
	s4 =	sadd.s32 s4, s9;
	s5 =	sadd.s32 s5, s7  }
0xb: {  	s6 =	smax.u32 s6, $0x1;
	s7 =	simm.s32 $0x2;
	s9 =	simm.s32 $0x1  }
.LBB2_1:
0xc: {  	[tilespmem:s2], [sflag:$0x2] =	stream.linear.gather [hbm4b:s4+s2], $0x200, $0x38;
	[tilespmem:$0x10200] =	vst v63  }
0xd: {  	_ =	swait.ge [sflag:s7], $0x200  }
0xe: {  	[sflag:s7] =	ssyncset.done $0x0  }
0xf: {  	s11 =	simm.s32 $0x0;
	s12 =	simm.s32 $0x40;
	[sflag:s7] =	ssyncadd.s32 $0xFFFFFE00  }
.LBB2_2:
0x10: {  	p0 =	sne.s32 s12, $0x7C0;
	v0 =	vld [tilespmem:s11+$0x0];
	_ =	sdelay $0x2  }
.Ltmp0:
0x11: {  	(pc) =	sbr.rel @p0 .LBB2_2-.Ltmp0, $4  }
0x12: {  	_ = 	snop  }
0x13: {  	vm0 =	vgt.s32 v0, $0xC3FF;
	v1 =	vadd.s32 $0xFFFF3C00, v0  }
0x14: {  	v0 =	vsel vm0, v1, v0  }
0x15: {  	[tilespmem:s11+$0x0] =	vst v0;
	s11 =	sshra.s32 s12, $0x2;
	s12 =	sadd.s32 $0x40, s12  }
0x16: {  	v0 =	vld [tilespmem:s11+$0x0];
	_ =	sdelay $0x4  }
0x17: {  	vm0 =	vgt.s32 v0, $0xC3FF;
	v1 =	vadd.s32 $0xFFFF3C00, v0  }
0x18: {  	v0 =	vsel vm0, v1, v0  }
0x19: {  	[tilespmem:s11+$0x0] =	vst v0  }
0x1a: {  	[tilespmem:s8], [sflag:$0x1] =	stream.indirect.gather [hbm4b:s3+s8], $0x80, s2, s8, $0xb8;
	[tilespmem:$0x10200] =	vst v63  }
0x1b: {  	s10 =	sadd.s32 $0x1, s10;
	_ =	swait.ge [sflag:s9], $0x10000  }
0x1c: {  	p0 =	sne.s32 s10, s6;
	[sflag:s9] =	ssyncset.done $0x0  }
.Ltmp1:
0x1d: {  	[sflag:s9] =	ssyncadd.s32 $0xFFFF0000;
	(pc) =	sbr.rel @p0 .LBB2_1-.Ltmp1, $4  }
0x1e: {  	[hbm4b:s5+s2] =	stream.linear.scatter [tilespmem:s8], [sflag:$0x2], $0x10000, $0x38;
	[tilespmem:$0x10200] =	vst v63  }
0x1f: {  	_ =	swait.ge [sflag:s7], $0x10000  }
0x20: {  	[sflag:s7] =	ssyncset.done $0x0  }
0x21: {  	[sflag:s7] =	ssyncadd.s32 $0xFFFF0000  }
0x22: {  	_ =	sfence.sel $0x180000  }
0x23: {  	[bflag:$0x0] =	sbarrier.arrive $0xFFFF  }
0x24: {  	p0 =	sne.s32 s1, $0x0;
	_ =	strace $0x90000047  }
0x25: {  	s0 =	sadd.s32 @!p0 $0x100000, s0;
	[bflag:$0x2] =	sbarrier.arrive $0xFFFF  }
0x26: {  	[sflag:s0] =	ssyncadd.tile.s32 @!p0 $0x1;
	_ =	shalt  }
.Lfunc_end2:
_tile_overlayer_lowered:
.L_overlay_start_2:
0x27: {  	(tag) =	ssettag $0x2  }
0x28: {  	s0 =	rddreg [dreg:$0x0];
	s2 =	stileid.u32  }
0x29: {  	s1 =	rddreg [dreg:$0x1];
	p0 =	sne.s32 s2, $0x0  }
0x2a: {  	s3 =	rddreg [dreg:$0x2];
	[bflag:$0x3] =	sbarrier.arrive $0xFFFF;
	s2 =	simm.s32 @!p0 $0x1C02  }
0x2b: {  	[timem:s3], [sflag:s2] =	dma.local @!p0 [hbm:s0], s1  }
0x2c: {  	s0 =	simm.s32 @!p0 $0x2  }
0x2d: {  	_ =	swait.ge @!p0 [sflag:s0], s1  }
0x2e: {  	s1 =	ssub.s32 @!p0 $0x0, s1;
	[sflag:s0] =	ssyncset.done @!p0 $0x0  }
0x2f: {  	[sflag:s0] =	ssyncadd.s32 @!p0 s1  }
0x30: {  	[bflag:$0x3] =	sbarrier.arrive $0xFFFF  }
0x31: {  	_ =	shalt  }

</sc_bundles>
